<compile_context>
chip_gen: v7x
topology: tpu7x:2x2x1
jax: 0.10.2.dev20260603
libtpu: 0.0.44.dev20260713+nightly
codegen_flags: <defaults>
</compile_context>

<pallas_src>
import functools

import jax
import jax.numpy as jnp
from jax import lax
from jax.experimental import pallas as pl
from jax.experimental.pallas import tpu as pltpu
from jax.experimental.pallas import tpu_sc as plsc

_SC_INFO = plsc.get_sparse_core_info()
_NC = _SC_INFO.num_cores


def _x_kernel(res_ref, x_ref, xi_ref):
    xi_ref[...] = x_ref[...] + res_ref[0]


def kernel(x, ptx, bs, height, width, point_edges, point_src_dirs, point_tgt_dirs):
    C, H, W = x.shape[1], x.shape[2], x.shape[3]
    n_pts = ptx.shape[0]
    residual = (
        (jnp.asarray(bs) - 1) + (jnp.asarray(height) - H) + (jnp.asarray(width) - W)
    ).astype(x.dtype)
    res = residual.reshape(1)

    n_workers = 4
    rows = n_pts // n_workers
    mesh = plsc.VectorSubcoreMesh(core_axis_name="c", subcore_axis_name="s")

    @functools.partial(
        pl.kernel,
        mesh=mesh,
        out_type=jax.ShapeDtypeStruct((n_pts, C), ptx.dtype),
    )
    def _sc_copy(ptx_hbm, out_hbm):
        wid = lax.axis_index("s") * _NC + lax.axis_index("c")

        @pl.when(wid < n_workers)
        def _():
            base = wid * rows
            pltpu.sync_copy(
                ptx_hbm.at[pl.ds(base, rows)], out_hbm.at[pl.ds(base, rows)]
            )

    G = 4
    xb = C // G
    xi = pl.pallas_call(
        _x_kernel,
        grid=(G,),
        in_specs=[
            pl.BlockSpec(memory_space=pltpu.SMEM),
            pl.BlockSpec((1, xb, H, W), lambda i: (0, i, 0, 0)),
        ],
        out_specs=pl.BlockSpec((1, xb, H, W), lambda i: (0, i, 0, 0)),
        out_shape=jax.ShapeDtypeStruct((1, C, H, W), x.dtype),
    )(res, x)

    return (xi, _sc_copy(ptx))

# --- scband reference (transcript-rebuilt; emitter-appended) ---
"""Pipeline reference for scband-base-edge-79173427134540 (READ-ONLY COPY).

The authoritative reference and input builder live on the scoring server;
editing this copy changes nothing except your own understanding.
"""

import jax, jax.numpy as jnp
import numpy as np


def setup_inputs(seed: int = 0) -> dict:
    key = jax.random.key(seed)
    k1, k2, k3, k4, k5 = jax.random.split(key, 5)
    height, width = 256, 256
    n_pix = height * width
    n_pts = 34464
    n_nodes = n_pts + n_pix  # 100000
    C = 128
    E = 1600000
    x = jax.random.normal(k1, (1, C, height, width), dtype=jnp.float32)
    ptx = jax.random.normal(k2, (n_pts, C), dtype=jnp.float32)
    point_edges = jax.random.randint(k3, (2, E), 0, n_nodes, dtype=jnp.int32)
    point_src_dirs = jax.random.normal(k4, (n_pts, 3), dtype=jnp.float32)
    point_tgt_dirs = jax.random.normal(k5, (n_pix, 3), dtype=jnp.float32)
    return {
        "x": x,
        "ptx": ptx,
        "bs": 1,
        "height": height,
        "width": width,
        "point_edges": point_edges,
        "point_src_dirs": point_src_dirs,
        "point_tgt_dirs": point_tgt_dirs,
    }


def reference(x, ptx, bs, height, width, point_edges, point_src_dirs, point_tgt_dirs):
    C = x.shape[1]
    H = x.shape[2]
    W = x.shape[3]
    hw = H * W
    # x.view(C, H*W).transpose(1, 0) -> [HW, C]
    xf = x.reshape(C, hw).T
    # zero_in=True: concat point features before pixel features -> [N, C]
    xf = jnp.concatenate((ptx, xf), axis=0)
    # per-edge view-direction dot product (gather on both endpoints)
    point_dirs = jnp.concatenate((point_src_dirs, point_tgt_dirs), axis=0)
    src_d = jnp.take(point_dirs, point_edges[0], axis=0)
    tgt_d = jnp.take(point_dirs, point_edges[1], axis=0)
    view_dot = jnp.sum(src_d * tgt_d, axis=1, keepdims=True)  # [E, 1] edge_attr
    # net_forward is an abstract stub in BaseEdge; treated as identity on node
    # features (view_dot is the edge_attr that subclasses would consume).
    xo = xf
    _ = view_dot
    ptx_out = xo[:-hw]
    xi = xo[-hw:]
    xi = xi.reshape(1, H, W, xi.shape[1])
    xi = jnp.transpose(xi, (0, 3, 1, 2))
    residual = ((jnp.asarray(bs) - 1) + (jnp.asarray(height) - H) + (jnp.asarray(width) - W)).astype(xi.dtype)
    xi = xi + residual
    return (xi, ptx_out)

if __name__ == "__main__":
    import jax
    _d = setup_inputs()
    print(jax.jit(kernel)(*tuple(_d.values())))

</pallas_src>

<mosaic_0001>
#map = affine_map<(d0, d1) -> (0, 0)>
module attributes {stable_mosaic.version = 14 : i64} {
  func.func @_sc_copy(%arg0: i32, %arg1: i32, %arg2: memref<34464x128xf32, #tpu.memory_space<hbm>>, %arg3: memref<34464x128xf32, #tpu.memory_space<hbm>>) attributes {dimension_semantics = [#tpu.dimension_semantics<core_parallel>, #tpu.dimension_semantics<subcore_parallel>], iteration_bounds = array<i64: 2, 16>, scalar_prefetch = 0 : i64, scratch_operands = 0 : i64, tpu.core_type = #tpu.core_type<sc_vector_subcore>, window_params = [{transform_indices = #map}, {transform_indices = #map}]} {
    %mul3A = arith.constant 2 : i32
    %mul3A_0 = arith.muli %arg1, %mul3A : i32
    %add3A = arith.addi %mul3A_0, %arg0 : i32
    %lt3A = arith.constant 4 : i32
    %lt3A_1 = arith.cmpi slt, %add3A, %lt3A : i32
    %convert_element_type3A = arith.extui %lt3A_1 : i1 to i32
    %cond3A = arith.constant 0 : i32
    %cond3A_2 = arith.cmpi ne, %convert_element_type3A, %cond3A : i32
    scf.if %cond3A_2 {
      %mul3A_3 = arith.constant 8616 : i32
      %mul3A_4 = arith.muli %add3A, %mul3A_3 : i32
      "tpu.region"() ({
        %run_scoped3A = tpu.sem_alloc : memref<!tpu.dma_semaphore, #tpu.memory_space<semaphore_mem>>
        %dma_start3A = arith.constant 0 : i32
        %dma_start3A_5 = tpu.memref_slice %arg3[%mul3A_4, %dma_start3A] : memref<34464x128xf32, #tpu.memory_space<hbm>> -> memref<8616x128xf32, #tpu.memory_space<hbm>>
        %dma_start3A_6 = arith.constant 0 : i32
        %dma_start3A_7 = tpu.memref_slice %arg2[%mul3A_4, %dma_start3A_6] : memref<34464x128xf32, #tpu.memory_space<hbm>> -> memref<8616x128xf32, #tpu.memory_space<hbm>>
        tpu.enqueue_dma source(%dma_start3A_7 : memref<8616x128xf32, #tpu.memory_space<hbm>>) target(%dma_start3A_5 : memref<8616x128xf32, #tpu.memory_space<hbm>>) target_semaphore(%run_scoped3A : memref<!tpu.dma_semaphore, #tpu.memory_space<semaphore_mem>>)
        %dma_wait3A = arith.constant 0 : i32
        %dma_wait3A_8 = tpu.memref_slice %arg3[%mul3A_4, %dma_wait3A] : memref<34464x128xf32, #tpu.memory_space<hbm>> -> memref<8616x128xf32, #tpu.memory_space<hbm>>
        %dma_wait3A_9 = arith.constant 0 : i32
        %dma_wait3A_10 = tpu.memref_slice %arg2[%mul3A_4, %dma_wait3A_9] : memref<34464x128xf32, #tpu.memory_space<hbm>> -> memref<8616x128xf32, #tpu.memory_space<hbm>>
        tpu.wait_dma2 semaphore(%run_scoped3A : memref<!tpu.dma_semaphore, #tpu.memory_space<semaphore_mem>>) src(%dma_wait3A_10 : memref<8616x128xf32, #tpu.memory_space<hbm>>) dst(%dma_wait3A_8 : memref<8616x128xf32, #tpu.memory_space<hbm>>)
        tpu.yield
      }) : () -> ()
    } else {
    }
    return
  }
}

module attributes {stable_mosaic.version = 14 : i64} {
  func.func @_x_kernel(%arg0: i32, %arg1: memref<1xf32, #tpu.memory_space<smem>>, %arg2: memref<1x32x256x256xf32, #tpu.memory_space<vmem>>, %arg3: memref<1x32x256x256xf32, #tpu.memory_space<vmem>>) attributes {dimension_semantics = [#tpu.dimension_semantics<arbitrary>], iteration_bounds = array<i64: 4>, scalar_prefetch = 0 : i64, scratch_operands = 0 : i64, tpu.core_type = #tpu.core_type<tc>, window_params = [{transform_indices = @transform_0, window_bounds = array<i64: 1>}, {transform_indices = @transform_1, window_bounds = array<i64: 1, 32, 256, 256>}, {transform_indices = @transform_2, window_bounds = array<i64: 1, 32, 256, 256>}]} {
    %get3A = arith.constant 0 : index
    %get3A_0 = arith.constant 0 : index
    %get3A_1 = arith.constant 0 : index
    %get3A_2 = arith.constant 0 : index
    %get3A_3 = vector.load %arg2[%get3A, %get3A_0, %get3A_1, %get3A_2] : memref<1x32x256x256xf32, #tpu.memory_space<vmem>>, vector<1x32x256x256xf32>
    %get3A_4 = arith.constant 0 : index
    %get3A_5 = memref.load %arg1[%get3A_4] : memref<1xf32, #tpu.memory_space<smem>>
    %add3A = vector.broadcast %get3A_5 : f32 to vector<1x32x256x256xf32>
    %add3A_6 = arith.addf %get3A_3, %add3A : vector<1x32x256x256xf32>
    %swap3A = arith.constant 0 : index
    %swap3A_7 = arith.constant 0 : index
    %swap3A_8 = arith.constant 0 : index
    %swap3A_9 = arith.constant 0 : index
    %swap3A_10 = vector.load %arg3[%swap3A, %swap3A_7, %swap3A_8, %swap3A_9] : memref<1x32x256x256xf32, #tpu.memory_space<vmem>>, vector<1x32x256x256xf32>
    tpu.vector_store %arg3[%swap3A, %swap3A_7, %swap3A_8, %swap3A_9], %add3A_6 {strides = array<i32>} : memref<1x32x256x256xf32, #tpu.memory_space<vmem>>, vector<1x32x256x256xf32>,
    return
  }
  func.func @transform_0(%arg0: i32) -> i32 {
    %c0_i32 = arith.constant 0 : i32
    %c0_i32_0 = arith.constant 0 : i32
    return %c0_i32 : i32
  }
  func.func @transform_1(%arg0: i32) -> (i32, i32, i32, i32) {
    %c0_i32 = arith.constant 0 : i32
    %c0_i32_0 = arith.constant 0 : i32
    %c0_i32_1 = arith.constant 0 : i32
    %c0_i32_2 = arith.constant 0 : i32
    return %c0_i32, %arg0, %c0_i32_0, %c0_i32_1 : i32, i32, i32, i32
  }
  func.func @transform_2(%arg0: i32) -> (i32, i32, i32, i32) {
    %c0_i32 = arith.constant 0 : i32
    %c0_i32_0 = arith.constant 0 : i32
    %c0_i32_1 = arith.constant 0 : i32
    %c0_i32_2 = arith.constant 0 : i32
    return %c0_i32, %arg0, %c0_i32_0, %c0_i32_1 : i32, i32, i32, i32
  }
}

</mosaic_0001>

<sc_bundles>
// kernel: kernel.4.cloned.1.call-start
scs
__scs_entry_jumppad:
0x0: {  	(pc) =	sbr.rel $0x88, $3  }
0x1: {  	(tag) =	ssettag $0x0;
	lr =	simm.s32 $0x1  }
0x2: {  	[smem:$0x3F9C] =	sst lr;
	_ =	strace $0xD0000000  }
0x3: {  	_ = 	snop  }
0x4: {  	_ = 	snop  }
0x5: {  	_ = 	snop  }
0x6: {  	_ = 	snop  }
0x7: {  	_ = 	snop  }
__scs_overlays_trampoline_lowered:
0x8: {  	[smem:$0x3FAB] =	sst s0  }
0x9: {  	[smem:$0x3FAC] =	sst s1  }
0xa: {  	[smem:$0x3FAD] =	sst s2  }
0xb: {  	[smem:$0x3FAE] =	sst s3  }
0xc: {  	[smem:$0x3FAF] =	sst s4  }
0xd: {  	[smem:$0x3FB0] =	sst s5  }
0xe: {  	[smem:$0x3FB1] =	sst s6  }
0xf: {  	[smem:$0x3FB2] =	sst s7  }
0x10: {  	[smem:$0x3FB3] =	sst s8  }
0x11: {  	[smem:$0x3FB4] =	sst s9;
	s0 =	simm.s32 @!p0 $0x0  }
0x12: {  	s1 =	sld [smem:$0x3F9A];
	s0 =	simm.s32 @p0 $0x1  }
0x13: {  	[smem:$0x3FB5] =	sst s0;
	s0 =	simm.s32 @!p1 $0x0  }
0x14: {  	s2 =	sld [smem:$0x3F99];
	s0 =	simm.s32 @p1 $0x1  }
0x15: {  	[smem:$0x3FB6] =	sst s0;
	s0 =	simm.s32 @!p2 $0x0  }
0x16: {  	s3 =	sld [smem:$0x3FDB];
	s0 =	simm.s32 @p2 $0x1  }
0x17: {  	s4 =	simm.s32 $0x1BF5;
	[smem:$0x3FB8] =	sst s0  }
0x18: {  	s0 =	sld [smem:$0x3F9B];
	_ =	swait.ge [sflag:s4], $0x0  }
0x19: {  	s7 =	sld [smem:$0x3F9C]  }
0x1a: {  	s8 =	sadd.s32 $0xFFFFE003, lr  }
0x1b: {  	s9 =	sadd.s32 $0xFFFFFEF7, lr;
	s5 =	simm.s32 $0xFFFFFFFF;
	p2 =	slt.u32 s8, $0xFFFFF086  }
0x1c: {  	p1 =	slt.u32 s9, $0xF7A;
	s5 =	simm.s32 @!p2 $0x0  }
0x1d: {  	s5 =	simm.s32 @p1 $0x1;
	p0 =	seq.s32 s7, s2  }
0x1e: {  	s7 =	smul.u32 @!p0 $0xF7A, s2;
	p2 =	seq.s32 @!p0 s5, $0x0  }
0x1f: {  	s9 =	smul.u32 $0xF7A, s1;
	s8 =	simm.s32 @!p0 $0x1BF5;
	p2 =	por !p2, p0  }
0x20: {  	[sflag:s8] =	ssyncset.s32 @!p0 $0xFFFFF086;
	s6 =	sadd.s32 @!p0 s3, s7;
	s7 =	simm.s32 @!p0 $0x108  }
0x21: {  	s3 =	sadd.s32 s3, s9;
	s6 =	sadd.s32 @!p0 $0x88, s6;
	s7 =	simm.s32 @p2 $0x1082  }
0x22: {  	[simem:s7], [sflag:s8] =	dma.local @!p0 [hbm:s6], $0xF7A  }
0x23: {  	s9 =	sor.u32 $0xD0000000, s2;
	s6 =	simm.s32 $0x108;
	_ =	swait.ge @!p0 [sflag:s8], $0x0  }
0x24: {  	s3 =	sadd.s32 $0x88, s3;
	s6 =	simm.s32 @!p1 $0x1082;
	[sflag:s4] =	ssyncset.s32 $0xFFFFF086  }
0x25: {  	[simem:s6], [sflag:s4] =	dma.local [hbm:s3], $0xF7A  }
0x26: {  	[smem:$0x3F9C] =	sst s1;
	(tag) =	ssettag s2;
	_ =	strace s9  }
0x27: {  	s1 =	sld [smem:$0x3FAC]  }
0x28: {  	s2 =	sld [smem:$0x3FAD]  }
0x29: {  	s4 =	sld [smem:$0x3FAF]  }
0x2a: {  	p0 =	seq.s32 s5, $0x0;
	s5 =	sld [smem:$0x3FB0]  }
0x2b: {  	s6 =	sld [smem:$0x3FB1]  }
0x2c: {  	s7 =	sld [smem:$0x3FB2]  }
0x2d: {  	s3 =	simm.s32 $0x108;
	s8 =	sld [smem:$0x3FB3]  }
0x2e: {  	s3 =	simm.s32 @!p0 $0x1082;
	s9 =	sld [smem:$0x3FB4]  }
0x2f: {  	lr =	sadd.s32 s0, s3;
	s0 =	sld [smem:$0x3FAB]  }
0x30: {  	s3 =	sld [smem:$0x3FAE]  }
0x31: {  	[smem:$0x3FB7] =	sst s10  }
0x32: {  	s10 =	sld [smem:$0x3FB5];
	_ =	sdelay $0x3  }
0x33: {  	p0 =	seq.s32 s10, $0x1;
	s10 =	sld [smem:$0x3FB7];
	_ =	sdelay $0x3  }
0x34: {  	[smem:$0x3FB7] =	sst s10  }
0x35: {  	s10 =	sld [smem:$0x3FB6];
	_ =	sdelay $0x3  }
0x36: {  	p1 =	seq.s32 s10, $0x1;
	s10 =	sld [smem:$0x3FB7];
	_ =	sdelay $0x3  }
0x37: {  	[smem:$0x3FB7] =	sst s10  }
0x38: {  	s10 =	sld [smem:$0x3FB8]  }
0x39: {  	_ = 	snop;
	(pc) =	sbr.ind lr, $3  }
0x3a: {  	_ = 	snop  }
0x3b: {  	_ = 	snop  }
0x3c: {  	p2 =	seq.s32 s10, $0x1;
	s10 =	sld [smem:$0x3FB7]  }
0x3d: {  	_ =	shalt  }
0x3e: {  	_ =	shalt  }
0x3f: {  	_ =	shalt  }
0x40: {  	_ =	shalt  }
0x41: {  	_ =	shalt  }
0x42: {  	_ =	shalt  }
0x43: {  	_ =	shalt  }
0x44: {  	_ =	shalt  }
0x45: {  	_ =	shalt  }
0x46: {  	_ =	shalt  }
0x47: {  	_ =	shalt  }
0x48: {  	_ =	shalt  }
0x49: {  	_ =	shalt  }
0x4a: {  	_ =	shalt  }
0x4b: {  	_ =	shalt  }
0x4c: {  	_ =	shalt  }
0x4d: {  	_ =	shalt  }
0x4e: {  	_ =	shalt  }
0x4f: {  	_ =	shalt  }
0x50: {  	_ =	shalt  }
0x51: {  	_ =	shalt  }
0x52: {  	_ =	shalt  }
0x53: {  	_ =	shalt  }
0x54: {  	_ =	shalt  }
0x55: {  	_ =	shalt  }
0x56: {  	_ =	shalt  }
0x57: {  	_ =	shalt  }
0x58: {  	_ =	shalt  }
0x59: {  	_ =	shalt  }
0x5a: {  	_ =	shalt  }
0x5b: {  	_ =	shalt  }
0x5c: {  	_ =	shalt  }
0x5d: {  	_ =	shalt  }
0x5e: {  	_ =	shalt  }
0x5f: {  	_ =	shalt  }
0x60: {  	_ =	shalt  }
0x61: {  	_ =	shalt  }
0x62: {  	_ =	shalt  }
0x63: {  	_ =	shalt  }
0x64: {  	_ =	shalt  }
0x65: {  	_ =	shalt  }
0x66: {  	_ =	shalt  }
0x67: {  	_ =	shalt  }
0x68: {  	_ =	shalt  }
0x69: {  	_ =	shalt  }
0x6a: {  	_ =	shalt  }
0x6b: {  	_ =	shalt  }
0x6c: {  	_ =	shalt  }
0x6d: {  	_ =	shalt  }
0x6e: {  	_ =	shalt  }
0x6f: {  	_ =	shalt  }
0x70: {  	_ =	shalt  }
0x71: {  	_ =	shalt  }
0x72: {  	_ =	shalt  }
0x73: {  	_ =	shalt  }
0x74: {  	_ =	shalt  }
0x75: {  	_ =	shalt  }
0x76: {  	_ =	shalt  }
0x77: {  	_ =	shalt  }
0x78: {  	_ =	shalt  }
0x79: {  	_ =	shalt  }
0x7a: {  	_ =	shalt  }
0x7b: {  	_ =	shalt  }
0x7c: {  	_ =	shalt  }
0x7d: {  	_ =	shalt  }
0x7e: {  	_ =	shalt  }
0x7f: {  	_ =	shalt  }
0x80: {  	_ =	shalt  }
0x81: {  	_ =	shalt  }
0x82: {  	_ =	shalt  }
0x83: {  	_ =	shalt  }
0x84: {  	_ =	shalt  }
0x85: {  	_ =	shalt  }
0x86: {  	_ =	shalt  }
0x87: {  	_ =	shalt  }
.Lfunc_end0:
.L_simem_size_0:
called_computation_lowered:
.L_overlay_start_0:
0x88: {  	s2 =	sld [smem:$0x3FD9]  }
0x89: {  	s3 =	sld [smem:$0x3FFE];
	_ =	sdelay $0x1  }
0x8a: {  	s1 =	srdreg.scid  }
0x8b: {  	s0 =	sand.u32 $0x1, s1  }
0x8c: {  	s15 =	sshll.u32 s0, $0xA;
	s2 =	sadd.s32 s3, s2  }
0x8d: {  	s2 =	sadd.s32 s2, s15  }
0x8e: {  	[smem:$0x3FC3] =	sst s2  }
0x8f: {  	_ = 	snop  }
0x90: {  	s2 =	sld [smem:$0x3FD0];
	_ =	sdelay $0x2  }
0x91: {  	s4 =	simm.s32 $0xA;
	s5 =	simm.s32 $0x10;
	s16 =	sld [smem:$0x3FC8]  }
0x92: {  	[smem:s5], [sflag:s4] =	dma.local [hbm:s2], $0x1  }
0x93: {  	_ =	swait.eq [sflag:s4], $0x1  }
0x94: {  	[sflag:s4] =	ssyncset.done $0x0  }
0x95: {  	[sflag:s4] =	ssyncadd.s32 $0xFFFFFFFF  }
0x96: {  	s17 =	sld [smem:$0x11];
	(tm) =	ssettm $0x1  }
0x97: {  	s18 =	sld [smem:$0x3FFB];
	_ =	sdelay $0x3  }
0x98: {  	_ =	strace s18  }
0x99: {  	s4 =	sld [smem:$0x3FFC];
	_ =	sdelay $0x3  }
0x9a: {  	_ =	strace s4  }
0x9b: {  	s4 =	sld [smem:$0x3FFD];
	_ =	sdelay $0x3  }
0x9c: {  	_ =	strace s4  }
0x9d: {  	_ =	strace $0x8FFFFFFF  }
0x9e: {  	s19 =	sld [smem:$0x3FDB];
	_ =	sdelay $0x1  }
0x9f: {  	s20 =	simm.s32 $_scs_section_size  }
0xa0: {  	s6 =	simm.s32 $_size__tile_overlayer_lowered;
	s7 =	simm.s32 $_tile_overlayer_lowered  }
0xa1: {  	s23 =	simm.s32 $0x1BFF;
	s22 =	sshll.u32 s7, $0x1;
	s4 =	sadd.s32 s20, s19  }
0xa2: {  	s8 =	simm.s32 $0x0;
	s21 =	sshll.u32 s6, $0x1;
	s6 =	sadd.s32 s22, s4  }
0xa3: {  	[timem:s8], [sflag:s23] =	dma.local [hbm:s6], s21  }
0xa4: {  	_ =	swait.ge [sflag:s23], s21  }
0xa5: {  	s5 =	ssub.s32 $0x0, s21;
	[sflag:s23] =	ssyncset.done $0x0  }
0xa6: {  	[sflag:s23] =	ssyncadd.s32 s5;
	_ =	sdelay $0x1  }
0xa7: {  	s24 =	simm.s32 $0x1B8B  }
0xa8: {  	_ =	swait.ge [sflag:s24], $0x1  }
0xa9: {  	[sflag:s24] =	ssyncset.done $0x0  }
0xaa: {  	s25 =	simm.s32 $0x1B8E;
	[sflag:s24] =	ssyncadd.s32 $0xFFFFFFFF  }
0xab: {  	s26 =	simm.s32 $execute0_lowered;
	[smem:$0x3FD2] =	sst s25  }
0xac: {  	s5 =	sshll.u32 s26, $0x1;
	_ =	strace $0x80000046;
	[dreg:$0x1] =	wrdreg $0xFFFFFFFF  }
0xad: {  	s28 =	simm.s32 $_size_execute0_lowered;
	s4 =	sadd.s32 s4, s5;
	[dreg:$0x0] =	wrdreg $0x0  }
0xae: {  	s5 =	sshll.u32 s28, $0x1;
	[dreg:$0x2] =	wrdreg s4  }
0xaf: {  	[dreg:$0x3] =	wrdreg s5  }
0xb0: {  	[dreg:$0x4] =	wrdreg $0xC0  }
0xb1: {  	_ =	task [dreg:s8], $0x5FFFF  }
0xb2: {  	[dreg:$0x1] =	wrdreg $0xFFFFFFFF  }
0xb3: {  	[dreg:$0x0] =	wrdreg $0x60  }
0xb4: {  	[dreg:$0x2] =	wrdreg s16  }
0xb5: {  	[dreg:$0x3] =	wrdreg s17  }
0xb6: {  	[dreg:$0x4] =	wrdreg $0x9  }
0xb7: {  	_ =	task.clear_ibuf [dreg:s8], $0x5FFFF;
	_ =	strace $0x90000046  }
0xb8: {  	s29 =	simm.s32 $0x9;
	_ =	strace $0x80000048  }
0xb9: {  	_ =	swait.ge [sflag:s29], $0x1  }
0xba: {  	[sflag:s29] =	ssyncadd.s32 $0xFFFFFFFF  }
0xbb: {  	_ =	strace $0x90000048  }
0xbc: {  	_ =	sfence  }
0xbd: {  	s30 =	sld [smem:$0x0];
	_ =	sdelay $0x2  }
0xbe: {  	s31 =	sshll.u32 s1, $0xD;
	s1 =	sshrl.u32 s1, $0x2  }
0xbf: {  	s3 =	sand.u32 $0x4000, s31;
	s1 =	sadd.s32 s1, s30  }
0xc0: {  	s0 =	sor.u32 s3, s0;
	s1 =	sshll.u32 s1, $0x11  }
0xc1: {  	s0 =	sor.u32 s1, s0  }
0xc2: {  	s0 =	sadd.s32 $0x8F2B, s0  }
0xc3: {  	[sflag:s0] =	ssyncadd.remote.s32 $0x1  }
0xc4: {  	_ =	sfence.sel $0xFFFF  }
0xc5: {  	[dreg:$0x0] =	wrdreg $0xFFFFFFFF;
	(pc) =	sbr.abs _section_cstart, $3  }
0xc6: {  	[dreg:$0x1] =	wrdreg $0xFFFFFFFF  }
0xc7: {  	_ =	task.clear_ibuf [dreg:s8], $0x2FFFF;
	_ =	strace $0x9FFFFFFF  }
0xc8: {  	(tm) =	ssettm $0x7FFFFFFF  }
0xc9: {  	_ =	shalt  }
tec
execute0_lowered:
.L_overlay_start_1:
0x0: {  	(tag) =	ssettag $0x1  }
0x1: {  	s1 =	stileid.u32  }
0x2: {  	p0 =	sgt.u32 s1, $0x1  }
.Ltmp0:
0x3: {  	_ = 	snop;
	(pc) =	sbr.rel @p0 .LBB2_4-.Ltmp0, $4  }
0x4: {  	s3 =	rddreg [dreg:$0x0]  }
0x5: {  	s2 =	rddreg [dreg:$0x1];
	s4 =	simm.s32 $0x0  }
0x6: {  	[smem:$0x7FF] =	sst s4  }
0x7: {  	s0 =	rddreg [dreg:$0x2];
	_ =	strace $0x80000047  }
0x8: {  	s4 =	srdreg.scid  }
0x9: {  	s4 =	sand.u32 $0x1, s4  }
0xa: {  	s6 =	ssub.s32 $0x2, s4  }
0xb: {  	s5 =	sshll.u32 s1, $0x1;
	s30 =	sshrl.u32 s6, $0x1  }
0xc: {  	s4 =	sor.u32 s4, s5;
	s5 =	ssub.s32 s6, s30  }
0xd: {  	s4 =	smul.u32 $0x21A80, s4;
	s6 =	smax.u32 s5, $0x1  }
0xe: {  	p0 =	sne.s32 s6, $0x1  }
.Ltmp1:
0xf: {  	s31 =	sshll.u32 s1, $0x6;
	s2 =	sadd.s32 s2, s4;
	(pc) =	sbr.rel @!p0 .LBB2_3-.Ltmp1, $4  }
0x10: {  	s3 =	sadd.s32 s3, s4;
	s4 =	sor.u32 $0x1C01, s31;
	s5 =	simm.s32 $0x1  }
0x11: {  	[hbm:s2], [sflag:s4] =	dma.local [hbm:s3], $0x21A80  }
0x12: {  	_ =	swait.ge [sflag:s5], $0x21A80  }
0x13: {  	s6 =	sadd.s32 $0xFFFFFFFF, s6;
	[sflag:s5] =	ssyncset.done $0x0  }
.LBB2_2:
0x14: {  	p0 =	sne.s32 s6, $0x1;
	s6 =	sadd.s32 $0xFFFFFFFF, s6;
	[sflag:s5] =	ssyncadd.s32 $0xFFFDE580  }
.Ltmp2:
0x15: {  	(pc) =	sbr.rel @p0 .LBB2_2-.Ltmp2, $4  }
0x16: {  	_ = 	snop  }
0x17: {  	[hbm:s2], [sflag:s4] =	dma.local [hbm:s3], $0x21A80  }
0x18: {  	_ =	swait.ge [sflag:s5], $0x21A80  }
0x19: {  	[sflag:s5] =	ssyncset.done $0x0  }
.LBB2_3:
0x1a: {  	[sflag:s5] =	ssyncadd.s32 $0xFFFDE580  }
.LBB2_4:
0x1b: {  	_ =	sfence.sel $0x180000  }
0x1c: {  	[bflag:$0x0] =	sbarrier.arrive $0xFFFF  }
0x1d: {  	p0 =	sne.s32 s1, $0x0;
	_ =	strace $0x90000047  }
0x1e: {  	s0 =	sadd.s32 @!p0 $0x100000, s0;
	[bflag:$0x2] =	sbarrier.arrive $0xFFFF  }
0x1f: {  	[sflag:s0] =	ssyncadd.tile.s32 @!p0 $0x1;
	_ =	shalt  }
.Lfunc_end2:
_tile_overlayer_lowered:
.L_overlay_start_2:
0x20: {  	(tag) =	ssettag $0x2  }
0x21: {  	s0 =	rddreg [dreg:$0x0];
	s2 =	stileid.u32  }
0x22: {  	s1 =	rddreg [dreg:$0x1];
	p0 =	sne.s32 s2, $0x0  }
0x23: {  	s3 =	rddreg [dreg:$0x2];
	[bflag:$0x3] =	sbarrier.arrive $0xFFFF;
	s2 =	simm.s32 @!p0 $0x1C01  }
0x24: {  	[timem:s3], [sflag:s2] =	dma.local @!p0 [hbm:s0], s1  }
0x25: {  	s0 =	simm.s32 @!p0 $0x1  }
0x26: {  	_ =	swait.ge @!p0 [sflag:s0], s1  }
0x27: {  	s1 =	ssub.s32 @!p0 $0x0, s1;
	[sflag:s0] =	ssyncset.done @!p0 $0x0  }
0x28: {  	[sflag:s0] =	ssyncadd.s32 @!p0 s1  }
0x29: {  	[bflag:$0x3] =	sbarrier.arrive $0xFFFF  }
0x2a: {  	_ =	shalt  }

</sc_bundles>
